<compile_context>
chip_gen: v7x
topology: tpu7x:2x2x1
jax: 0.10.2.dev20260603
libtpu: 0.0.44.dev20260713+nightly
codegen_flags: <defaults>
</compile_context>

<pallas_src>
import functools
import math

import jax
import jax.numpy as jnp
from jax.experimental import pallas as pl
from jax.experimental.pallas import tpu as pltpu
from jax.experimental.pallas import tpu_sc as plsc

_H = 4
_D = 32
_HID = 128
_L = 2
_NP = 50000
_NA = 50000
_NT = _NP + _NA


def _mm(x, w, b, act=None, blk=2000):
    n = x.shape[0]
    assert n % blk == 0

    def body(x_ref, w_ref, b_ref, o_ref):
        xv = x_ref[...]
        if act == "gelu_in":
            xv = jax.nn.gelu(xv)
        y = jnp.dot(xv, w_ref[...], preferred_element_type=jnp.float32)
        y = y + b_ref[...]
        if act == "relu":
            y = jnp.maximum(y, 0.0)
        o_ref[...] = y

    return pl.pallas_call(
        body,
        grid=(n // blk,),
        in_specs=[
            pl.BlockSpec((blk, _HID), lambda i: (i, 0)),
            pl.BlockSpec((_HID, _HID), lambda i: (0, 0)),
            pl.BlockSpec((1, _HID), lambda i: (0, 0)),
        ],
        out_specs=pl.BlockSpec((blk, _HID), lambda i: (i, 0)),
        out_shape=jax.ShapeDtypeStruct((n, _HID), jnp.float32),
    )(x, w, b.reshape(1, _HID))


_E = 800000
_NW = 32
_EPW = _E // _NW
_C = 128
_NCHUNK = 196


@functools.partial(jax.jit, static_argnums=())
def _sc_gather3(kt, vt, qt, src_g, dst_g):
    mesh = plsc.VectorSubcoreMesh(core_axis_name="c", subcore_axis_name="s")
    out3 = jax.ShapeDtypeStruct((_E, _HID), jnp.float32)

    idx_t = pltpu.VMEM((_C,), jnp.int32)
    row_t = pltpu.VMEM((_C, _HID), jnp.float32)
    sem_t = pltpu.SemaphoreType.DMA

    @functools.partial(
        pl.kernel,
        mesh=mesh,
        out_type=[out3, out3, out3],
        scratch_types=[idx_t] * 4 + [row_t] * 6 + [sem_t] * 12,
    )
    def k(kt_h, vt_h, qt_h, src_h, dst_h, oke, ove, oqe,
          sia, dia, sib, dib, ka, va, qa, kb, vb, qb, *sems):
        wid = jax.lax.axis_index("s") * 2 + jax.lax.axis_index("c")
        wbase = wid * _EPW
        ga, gb, wa, wb = sems[0:3], sems[3:6], sems[6:9], sems[9:12]

        def fire(base, si, di, kr, vr, qr, g):
            pltpu.sync_copy(src_h.at[pl.ds(base, _C)], si)
            pltpu.sync_copy(dst_h.at[pl.ds(base, _C)], di)
            return (pltpu.async_copy(kt_h.at[si], kr, g[0]),
                    pltpu.async_copy(vt_h.at[si], vr, g[1]),
                    pltpu.async_copy(qt_h.at[di], qr, g[2]))

        def writeback(base, kr, vr, qr, w):
            return (pltpu.async_copy(kr, oke.at[pl.ds(base, _C)], w[0]),
                    pltpu.async_copy(vr, ove.at[pl.ds(base, _C)], w[1]),
                    pltpu.async_copy(qr, oqe.at[pl.ds(base, _C)], w[2]))

        def step(j, _):
            base_a = wbase + jnp.minimum((2 * j) * _C, _EPW - _C)
            base_b = wbase + jnp.minimum((2 * j + 1) * _C, _EPW - _C)
            ca = fire(base_a, sia, dia, ka, va, qa, ga)
            cb = fire(base_b, sib, dib, kb, vb, qb, gb)
            for c in ca:
                c.wait()
            cwa = writeback(base_a, ka, va, qa, wa)
            for c in cb:
                c.wait()
            cwb = writeback(base_b, kb, vb, qb, wb)
            for c in cwa + cwb:
                c.wait()
            return 0

        jax.lax.fori_loop(0, _NCHUNK // 2, step, 0)

    return k(kt, vt, qt, src_g, dst_g)


def _blockdiag(mats):
    return jax.scipy.linalg.block_diag(*[mats[h] for h in range(_H)])


def kernel(x_paper, x_author, ei_cites, ei_writes, ei_written_by, W_in, b_in,
           Wk, bk, Wq, bq, Wv, bv, Wo, bo, skip, a_rel, m_rel, p_rel,
           bn_gamma, bn_beta):
    xs = [x_paper, x_author]
    eidx = [ei_cites, ei_writes, ei_written_by]
    st_i = [0, 1, 0]
    src_g = jnp.concatenate([eidx[e][0] + e * _NP for e in range(3)])
    dst_g = jnp.concatenate(
        [eidx[0][1], eidx[1][1], eidx[2][1] + _NP])
    perm = jnp.argsort(dst_g)
    src_g = src_g[perm]
    dst_g = dst_g[perm]

    h = [_mm(xs[i], W_in[i], b_in[i], act="relu") for i in range(2)]

    inv_sqrt_d = 1.0 / math.sqrt(float(_D))
    for l in range(_L):
        kt_parts, vt_parts = [], []
        for e in range(3):
            i = st_i[e]
            ablk = _blockdiag(a_rel[l, e] * (p_rel[l, e][:, None, None] * inv_sqrt_d))
            mblk = _blockdiag(m_rel[l, e])
            kt_parts.append(_mm(h[i], Wk[l, i] @ ablk, bk[l, i] @ ablk))
            vt_parts.append(_mm(h[i], Wv[l, i] @ mblk, bv[l, i] @ mblk))
        kt = jnp.concatenate(kt_parts)
        vt = jnp.concatenate(vt_parts)
        qt = jnp.concatenate(
            [_mm(h[i], Wq[l, i], bq[l, i]) for i in range(2)])

        ke, ve, qe = _sc_gather3(kt, vt, qt, src_g, dst_g)
        score = (ke * qe).reshape(-1, _H, _D).sum(-1)
        ex = jnp.exp(score)
        big = jnp.concatenate([ve * jnp.repeat(ex, _D, axis=1), ex], axis=1)
        tot = jax.ops.segment_sum(big, dst_g, num_segments=_NT,
                                  indices_are_sorted=True)
        agg = tot[:, :_HID] / (jnp.repeat(tot[:, _HID:], _D, axis=1) + 1e-16)

        new_h = []
        for i in range(2):
            o = _mm(agg[i * _NP:(i + 1) * _NP], Wo[l, i], bo[l, i], act="gelu_in")
            a = jax.nn.sigmoid(skip[l, i])
            o = a * o + (1.0 - a) * h[i]
            mu = o.mean(0)
            var = o.var(0)
            o = (o - mu) / jnp.sqrt(var + 1e-5) * bn_gamma[l] + bn_beta[l]
            new_h.append(o)
        h = new_h
    return (h[0], h[1])

# --- scband reference (transcript-rebuilt; emitter-appended) ---
"""Pipeline reference for scband-gnnencoder-19061064860125 (READ-ONLY COPY).

The authoritative reference and input builder live on the scoring server;
editing this copy changes nothing except your own understanding.
"""

import jax, jax.numpy as jnp
import numpy as np

NODE_TYPES = ["paper", "author"]
EDGE_TYPES = [("paper", "cites", "paper"), ("author", "writes", "paper"), ("paper", "written_by", "author")]
N_NODES = {"paper": 50000, "author": 50000}
E_EDGES = [400000, 200000, 200000]
HID = 128
H = 4
D = HID // H
L = 2


def setup_inputs(seed: int = 0):
    key = jax.random.key(seed)
    ks = jax.random.split(key, 16)
    s = 0.05
    inp = {}
    inp["x_paper"] = jax.random.normal(ks[0], (N_NODES["paper"], 128), jnp.float32)
    inp["x_author"] = jax.random.normal(ks[1], (N_NODES["author"], 128), jnp.float32)
    inp["ei_cites"] = jax.random.randint(ks[2], (2, E_EDGES[0]), 0, 50000, jnp.int32)
    inp["ei_writes"] = jax.random.randint(ks[3], (2, E_EDGES[1]), 0, 50000, jnp.int32)
    inp["ei_written_by"] = jax.random.randint(ks[4], (2, E_EDGES[2]), 0, 50000, jnp.int32)
    inp["W_in"] = jax.random.normal(ks[5], (2, 128, HID), jnp.float32) * s
    inp["b_in"] = jnp.zeros((2, HID), jnp.float32)
    inp["Wk"] = jax.random.normal(ks[6], (L, 2, HID, HID), jnp.float32) * s
    inp["bk"] = jnp.zeros((L, 2, HID), jnp.float32)
    inp["Wq"] = jax.random.normal(ks[7], (L, 2, HID, HID), jnp.float32) * s
    inp["bq"] = jnp.zeros((L, 2, HID), jnp.float32)
    inp["Wv"] = jax.random.normal(ks[8], (L, 2, HID, HID), jnp.float32) * s
    inp["bv"] = jnp.zeros((L, 2, HID), jnp.float32)
    inp["Wo"] = jax.random.normal(ks[9], (L, 2, HID, HID), jnp.float32) * s
    inp["bo"] = jnp.zeros((L, 2, HID), jnp.float32)
    inp["skip"] = jnp.ones((L, 2), jnp.float32)
    inp["a_rel"] = jax.random.normal(ks[10], (L, 3, H, D, D), jnp.float32) * s
    inp["m_rel"] = jax.random.normal(ks[11], (L, 3, H, D, D), jnp.float32) * s
    inp["p_rel"] = jnp.ones((L, 3, H), jnp.float32)
    inp["bn_gamma"] = jnp.ones((L, HID), jnp.float32)
    inp["bn_beta"] = jnp.zeros((L, HID), jnp.float32)
    return inp


def _forward(x_paper, x_author, W_in, b_in, Wk, bk, Wq, bq, Wv, bv, Wo, bo, skip,
             a_rel, m_rel, p_rel, bn_gamma, bn_beta, ei_cites, ei_writes, ei_written_by):
    x = {"paper": x_paper, "author": x_author}
    eidx = [ei_cites, ei_writes, ei_written_by]
    # initial per-node-type Linear + relu
    h = {nt: jax.nn.relu(x[nt] @ W_in[i] + b_in[i]) for i, nt in enumerate(NODE_TYPES)}
    offs = {"paper": 0, "author": N_NODES["paper"]}
    n_tot = N_NODES["paper"] + N_NODES["author"]
    for l in range(L):
        K = {nt: (h[nt] @ Wk[l, i] + bk[l, i]).reshape(-1, H, D) for i, nt in enumerate(NODE_TYPES)}
        Q = {nt: (h[nt] @ Wq[l, i] + bq[l, i]).reshape(-1, H, D) for i, nt in enumerate(NODE_TYPES)}
        V = {nt: (h[nt] @ Wv[l, i] + bv[l, i]).reshape(-1, H, D) for i, nt in enumerate(NODE_TYPES)}
        sc_list, msg_list, dst_list = [], [], []
        for e, (st, rel, dt) in enumerate(EDGE_TYPES):
            src, dst = eidx[e][0], eidx[e][1]
            k_e = jnp.einsum('ehd,hdf->ehf', K[st][src], a_rel[l, e])
            v_e = jnp.einsum('ehd,hdf->ehf', V[st][src], m_rel[l, e])
            score = (k_e * Q[dt][dst]).sum(-1) * p_rel[l, e] / jnp.sqrt(float(D))
            sc_list.append(score)
            msg_list.append(v_e)
            dst_list.append(dst + offs[dt])
        scores = jnp.concatenate(sc_list, 0)
        msgs = jnp.concatenate(msg_list, 0)
        dsts = jnp.concatenate(dst_list, 0)
        # segment softmax over destination nodes (across all edge types)
        smax = jax.lax.stop_gradient(jax.ops.segment_max(scores, dsts, num_segments=n_tot))
        ex = jnp.exp(scores - smax[dsts])
        den = jax.ops.segment_sum(ex, dsts, num_segments=n_tot)
        alpha = ex / (den[dsts] + 1e-16)
        agg = jax.ops.segment_sum(msgs * alpha[:, :, None], dsts, num_segments=n_tot).reshape(n_tot, HID)
        new_h = {}
        for i, nt in enumerate(NODE_TYPES):
            o = agg[offs[nt]:offs[nt] + N_NODES[nt]]
            o = jax.nn.gelu(o) @ Wo[l, i] + bo[l, i]
            a = jax.nn.sigmoid(skip[l, i])
            o = a * o + (1.0 - a) * h[nt]
            # BatchNorm1d (shared module per layer, applied per node type -> batch stats per type)
            mu = o.mean(0)
            var = o.var(0)
            o = (o - mu) / jnp.sqrt(var + 1e-5) * bn_gamma[l] + bn_beta[l]
            new_h[nt] = o
        h = new_h
    return (h["paper"], h["author"])


def reference(x_paper, x_author, ei_cites, ei_writes, ei_written_by, W_in, b_in, Wk, bk, Wq, bq, Wv, bv, Wo, bo, skip, a_rel, m_rel, p_rel, bn_gamma, bn_beta):
    return _forward(x_paper, x_author, W_in, b_in, Wk, bk, Wq, bq, Wv, bv, Wo, bo, skip, a_rel, m_rel, p_rel, bn_gamma, bn_beta, ei_cites, ei_writes, ei_written_by)

if __name__ == "__main__":
    import jax
    _d = setup_inputs()
    print(jax.jit(kernel)(*tuple(_d.values())))

</pallas_src>

<mosaic_0001>
#map = affine_map<(d0, d1) -> (0, 0)>
#map1 = affine_map<(d0, d1) -> (0)>
module attributes {stable_mosaic.version = 14 : i64} {
  func.func @k(%arg0: i32, %arg1: i32, %arg2: memref<150000x128xf32, #tpu.memory_space<hbm>>, %arg3: memref<150000x128xf32, #tpu.memory_space<hbm>>, %arg4: memref<100000x128xf32, #tpu.memory_space<hbm>>, %arg5: memref<800000xi32, #tpu.memory_space<hbm>>, %arg6: memref<800000xi32, #tpu.memory_space<hbm>>, %arg7: memref<800000x128xf32, #tpu.memory_space<hbm>>, %arg8: memref<800000x128xf32, #tpu.memory_space<hbm>>, %arg9: memref<800000x128xf32, #tpu.memory_space<hbm>>, %arg10: memref<128xi32, #tpu.memory_space<vmem>>, %arg11: memref<128xi32, #tpu.memory_space<vmem>>, %arg12: memref<128xi32, #tpu.memory_space<vmem>>, %arg13: memref<128xi32, #tpu.memory_space<vmem>>, %arg14: memref<128x128xf32, #tpu.memory_space<vmem>>, %arg15: memref<128x128xf32, #tpu.memory_space<vmem>>, %arg16: memref<128x128xf32, #tpu.memory_space<vmem>>, %arg17: memref<128x128xf32, #tpu.memory_space<vmem>>, %arg18: memref<128x128xf32, #tpu.memory_space<vmem>>, %arg19: memref<128x128xf32, #tpu.memory_space<vmem>>, %arg20: memref<!tpu.dma_semaphore, #tpu.memory_space<semaphore_mem>>, %arg21: memref<!tpu.dma_semaphore, #tpu.memory_space<semaphore_mem>>, %arg22: memref<!tpu.dma_semaphore, #tpu.memory_space<semaphore_mem>>, %arg23: memref<!tpu.dma_semaphore, #tpu.memory_space<semaphore_mem>>, %arg24: memref<!tpu.dma_semaphore, #tpu.memory_space<semaphore_mem>>, %arg25: memref<!tpu.dma_semaphore, #tpu.memory_space<semaphore_mem>>, %arg26: memref<!tpu.dma_semaphore, #tpu.memory_space<semaphore_mem>>, %arg27: memref<!tpu.dma_semaphore, #tpu.memory_space<semaphore_mem>>, %arg28: memref<!tpu.dma_semaphore, #tpu.memory_space<semaphore_mem>>, %arg29: memref<!tpu.dma_semaphore, #tpu.memory_space<semaphore_mem>>, %arg30: memref<!tpu.dma_semaphore, #tpu.memory_space<semaphore_mem>>, %arg31: memref<!tpu.dma_semaphore, #tpu.memory_space<semaphore_mem>>) attributes {dimension_semantics = [#tpu.dimension_semantics<core_parallel>, #tpu.dimension_semantics<subcore_parallel>], iteration_bounds = array<i64: 2, 16>, scalar_prefetch = 0 : i64, scratch_operands = 22 : i64, tpu.core_type = #tpu.core_type<sc_vector_subcore>, window_params = [{transform_indices = #map}, {transform_indices = #map}, {transform_indices = #map}, {transform_indices = #map1}, {transform_indices = #map1}, {transform_indices = #map}, {transform_indices = #map}, {transform_indices = #map}]} {
    %mul3A = arith.constant 2 : i32
    %mul3A_0 = arith.muli %arg1, %mul3A : i32
    %add3A = arith.addi %mul3A_0, %arg0 : i32
    %mul3A_1 = arith.constant 25000 : i32
    %mul3A_2 = arith.muli %add3A, %mul3A_1 : i32
    %scan3A = arith.constant 0 : i32
    %scan3A_3 = arith.constant 0 : i32
    %scan3A_4 = arith.constant 98 : i32
    %scan3A_5 = arith.addi %scan3A_3, %scan3A_4 : i32
    %scan3A_6 = arith.constant 1 : i32
    %scan3A_7 = scf.for %scan3A_9 = %scan3A_3 to %scan3A_5 step %scan3A_6 iter_args(%scan3A_10 = %scan3A) -> (i32)  : i32 {
      %mul3A_11 = arith.constant 2 : i32
      %mul3A_12 = arith.muli %mul3A_11, %scan3A_9 : i32
      %mul3A_13 = arith.constant 128 : i32
      %mul3A_14 = arith.muli %mul3A_12, %mul3A_13 : i32
      %min3A = arith.constant 24872 : i32
      %min3A_15 = arith.minsi %mul3A_14, %min3A : i32
      %add3A_16 = arith.addi %mul3A_2, %min3A_15 : i32
      %mul3A_17 = arith.constant 2 : i32
      %mul3A_18 = arith.muli %mul3A_17, %scan3A_9 : i32
      %add3A_19 = arith.constant 1 : i32
      %add3A_20 = arith.addi %mul3A_18, %add3A_19 : i32
      %mul3A_21 = arith.constant 128 : i32
      %mul3A_22 = arith.muli %add3A_20, %mul3A_21 : i32
      %min3A_23 = arith.constant 24872 : i32
      %min3A_24 = arith.minsi %mul3A_22, %min3A_23 : i32
      %add3A_25 = arith.addi %mul3A_2, %min3A_24 : i32
      "tpu.region"() ({
        %run_scoped3A = tpu.sem_alloc : memref<!tpu.dma_semaphore, #tpu.memory_space<semaphore_mem>>
        %dma_start3A_109 = tpu.memref_slice %arg5[%add3A_16] : memref<800000xi32, #tpu.memory_space<hbm>> -> memref<128xi32, #tpu.memory_space<hbm>>
        %dma_start3A_110 = tpu.memref_slice %arg5[%add3A_16] : memref<800000xi32, #tpu.memory_space<hbm>> -> memref<128xi32, #tpu.memory_space<hbm>>
        tpu.enqueue_dma source(%dma_start3A_110 : memref<128xi32, #tpu.memory_space<hbm>>) target(%arg10 : memref<128xi32, #tpu.memory_space<vmem>>) target_semaphore(%run_scoped3A : memref<!tpu.dma_semaphore, #tpu.memory_space<semaphore_mem>>)
        %dma_wait3A_111 = tpu.memref_slice %arg5[%add3A_16] : memref<800000xi32, #tpu.memory_space<hbm>> -> memref<128xi32, #tpu.memory_space<hbm>>
        %dma_wait3A_112 = tpu.memref_slice %arg5[%add3A_16] : memref<800000xi32, #tpu.memory_space<hbm>> -> memref<128xi32, #tpu.memory_space<hbm>>
        tpu.wait_dma2 semaphore(%run_scoped3A : memref<!tpu.dma_semaphore, #tpu.memory_space<semaphore_mem>>) src(%dma_wait3A_112 : memref<128xi32, #tpu.memory_space<hbm>>) dst(%arg10 : memref<128xi32, #tpu.memory_space<vmem>>)
        tpu.yield
      }) : () -> ()
      "tpu.region"() ({
        %run_scoped3A = tpu.sem_alloc : memref<!tpu.dma_semaphore, #tpu.memory_space<semaphore_mem>>
        %dma_start3A_109 = tpu.memref_slice %arg6[%add3A_16] : memref<800000xi32, #tpu.memory_space<hbm>> -> memref<128xi32, #tpu.memory_space<hbm>>
        %dma_start3A_110 = tpu.memref_slice %arg6[%add3A_16] : memref<800000xi32, #tpu.memory_space<hbm>> -> memref<128xi32, #tpu.memory_space<hbm>>
        tpu.enqueue_dma source(%dma_start3A_110 : memref<128xi32, #tpu.memory_space<hbm>>) target(%arg11 : memref<128xi32, #tpu.memory_space<vmem>>) target_semaphore(%run_scoped3A : memref<!tpu.dma_semaphore, #tpu.memory_space<semaphore_mem>>)
        %dma_wait3A_111 = tpu.memref_slice %arg6[%add3A_16] : memref<800000xi32, #tpu.memory_space<hbm>> -> memref<128xi32, #tpu.memory_space<hbm>>
        %dma_wait3A_112 = tpu.memref_slice %arg6[%add3A_16] : memref<800000xi32, #tpu.memory_space<hbm>> -> memref<128xi32, #tpu.memory_space<hbm>>
        tpu.wait_dma2 semaphore(%run_scoped3A : memref<!tpu.dma_semaphore, #tpu.memory_space<semaphore_mem>>) src(%dma_wait3A_112 : memref<128xi32, #tpu.memory_space<hbm>>) dst(%arg11 : memref<128xi32, #tpu.memory_space<vmem>>)
        tpu.yield
      }) : () -> ()
      %dma_start3A = arith.constant 0 : i32
      %dma_start3A_26 = arith.constant 0 : i32
      %dma_start3A_27 = tpu.memref_slice %arg2[%dma_start3A, %dma_start3A_26] : memref<150000x128xf32, #tpu.memory_space<hbm>> -> memref<150000x128xf32, #tpu.memory_space<hbm>>
      tpu.enqueue_indirect_dma source(%dma_start3A_27 : memref<150000x128xf32, #tpu.memory_space<hbm>>) target(%arg14 : memref<128x128xf32, #tpu.memory_space<vmem>>) offsets(%arg10 : memref<128xi32, #tpu.memory_space<vmem>>) semaphore(%arg20 : memref<!tpu.dma_semaphore, #tpu.memory_space<semaphore_mem>>)
      %dma_start3A_28 = arith.constant 0 : i32
      %dma_start3A_29 = arith.constant 0 : i32
      %dma_start3A_30 = tpu.memref_slice %arg3[%dma_start3A_28, %dma_start3A_29] : memref<150000x128xf32, #tpu.memory_space<hbm>> -> memref<150000x128xf32, #tpu.memory_space<hbm>>
      tpu.enqueue_indirect_dma source(%dma_start3A_30 : memref<150000x128xf32, #tpu.memory_space<hbm>>) target(%arg15 : memref<128x128xf32, #tpu.memory_space<vmem>>) offsets(%arg10 : memref<128xi32, #tpu.memory_space<vmem>>) semaphore(%arg21 : memref<!tpu.dma_semaphore, #tpu.memory_space<semaphore_mem>>)
      %dma_start3A_31 = arith.constant 0 : i32
      %dma_start3A_32 = arith.constant 0 : i32
      %dma_start3A_33 = tpu.memref_slice %arg4[%dma_start3A_31, %dma_start3A_32] : memref<100000x128xf32, #tpu.memory_space<hbm>> -> memref<100000x128xf32, #tpu.memory_space<hbm>>
      tpu.enqueue_indirect_dma source(%dma_start3A_33 : memref<100000x128xf32, #tpu.memory_space<hbm>>) target(%arg16 : memref<128x128xf32, #tpu.memory_space<vmem>>) offsets(%arg11 : memref<128xi32, #tpu.memory_space<vmem>>) semaphore(%arg22 : memref<!tpu.dma_semaphore, #tpu.memory_space<semaphore_mem>>)
      "tpu.region"() ({
        %run_scoped3A = tpu.sem_alloc : memref<!tpu.dma_semaphore, #tpu.memory_space<semaphore_mem>>
        %dma_start3A_109 = tpu.memref_slice %arg5[%add3A_25] : memref<800000xi32, #tpu.memory_space<hbm>> -> memref<128xi32, #tpu.memory_space<hbm>>
        %dma_start3A_110 = tpu.memref_slice %arg5[%add3A_25] : memref<800000xi32, #tpu.memory_space<hbm>> -> memref<128xi32, #tpu.memory_space<hbm>>
        tpu.enqueue_dma source(%dma_start3A_110 : memref<128xi32, #tpu.memory_space<hbm>>) target(%arg12 : memref<128xi32, #tpu.memory_space<vmem>>) target_semaphore(%run_scoped3A : memref<!tpu.dma_semaphore, #tpu.memory_space<semaphore_mem>>)
        %dma_wait3A_111 = tpu.memref_slice %arg5[%add3A_25] : memref<800000xi32, #tpu.memory_space<hbm>> -> memref<128xi32, #tpu.memory_space<hbm>>
        %dma_wait3A_112 = tpu.memref_slice %arg5[%add3A_25] : memref<800000xi32, #tpu.memory_space<hbm>> -> memref<128xi32, #tpu.memory_space<hbm>>
        tpu.wait_dma2 semaphore(%run_scoped3A : memref<!tpu.dma_semaphore, #tpu.memory_space<semaphore_mem>>) src(%dma_wait3A_112 : memref<128xi32, #tpu.memory_space<hbm>>) dst(%arg12 : memref<128xi32, #tpu.memory_space<vmem>>)
        tpu.yield
      }) : () -> ()
      "tpu.region"() ({
        %run_scoped3A = tpu.sem_alloc : memref<!tpu.dma_semaphore, #tpu.memory_space<semaphore_mem>>
        %dma_start3A_109 = tpu.memref_slice %arg6[%add3A_25] : memref<800000xi32, #tpu.memory_space<hbm>> -> memref<128xi32, #tpu.memory_space<hbm>>
        %dma_start3A_110 = tpu.memref_slice %arg6[%add3A_25] : memref<800000xi32, #tpu.memory_space<hbm>> -> memref<128xi32, #tpu.memory_space<hbm>>
        tpu.enqueue_dma source(%dma_start3A_110 : memref<128xi32, #tpu.memory_space<hbm>>) target(%arg13 : memref<128xi32, #tpu.memory_space<vmem>>) target_semaphore(%run_scoped3A : memref<!tpu.dma_semaphore, #tpu.memory_space<semaphore_mem>>)
        %dma_wait3A_111 = tpu.memref_slice %arg6[%add3A_25] : memref<800000xi32, #tpu.memory_space<hbm>> -> memref<128xi32, #tpu.memory_space<hbm>>
        %dma_wait3A_112 = tpu.memref_slice %arg6[%add3A_25] : memref<800000xi32, #tpu.memory_space<hbm>> -> memref<128xi32, #tpu.memory_space<hbm>>
        tpu.wait_dma2 semaphore(%run_scoped3A : memref<!tpu.dma_semaphore, #tpu.memory_space<semaphore_mem>>) src(%dma_wait3A_112 : memref<128xi32, #tpu.memory_space<hbm>>) dst(%arg13 : memref<128xi32, #tpu.memory_space<vmem>>)
        tpu.yield
      }) : () -> ()
      %dma_start3A_34 = arith.constant 0 : i32
      %dma_start3A_35 = arith.constant 0 : i32
      %dma_start3A_36 = tpu.memref_slice %arg2[%dma_start3A_34, %dma_start3A_35] : memref<150000x128xf32, #tpu.memory_space<hbm>> -> memref<150000x128xf32, #tpu.memory_space<hbm>>
      tpu.enqueue_indirect_dma source(%dma_start3A_36 : memref<150000x128xf32, #tpu.memory_space<hbm>>) target(%arg17 : memref<128x128xf32, #tpu.memory_space<vmem>>) offsets(%arg12 : memref<128xi32, #tpu.memory_space<vmem>>) semaphore(%arg23 : memref<!tpu.dma_semaphore, #tpu.memory_space<semaphore_mem>>)
      %dma_start3A_37 = arith.constant 0 : i32
      %dma_start3A_38 = arith.constant 0 : i32
      %dma_start3A_39 = tpu.memref_slice %arg3[%dma_start3A_37, %dma_start3A_38] : memref<150000x128xf32, #tpu.memory_space<hbm>> -> memref<150000x128xf32, #tpu.memory_space<hbm>>
      tpu.enqueue_indirect_dma source(%dma_start3A_39 : memref<150000x128xf32, #tpu.memory_space<hbm>>) target(%arg18 : memref<128x128xf32, #tpu.memory_space<vmem>>) offsets(%arg12 : memref<128xi32, #tpu.memory_space<vmem>>) semaphore(%arg24 : memref<!tpu.dma_semaphore, #tpu.memory_space<semaphore_mem>>)
      %dma_start3A_40 = arith.constant 0 : i32
      %dma_start3A_41 = arith.constant 0 : i32
      %dma_start3A_42 = tpu.memref_slice %arg4[%dma_start3A_40, %dma_start3A_41] : memref<100000x128xf32, #tpu.memory_space<hbm>> -> memref<100000x128xf32, #tpu.memory_space<hbm>>
      tpu.enqueue_indirect_dma source(%dma_start3A_42 : memref<100000x128xf32, #tpu.memory_space<hbm>>) target(%arg19 : memref<128x128xf32, #tpu.memory_space<vmem>>) offsets(%arg13 : memref<128xi32, #tpu.memory_space<vmem>>) semaphore(%arg25 : memref<!tpu.dma_semaphore, #tpu.memory_space<semaphore_mem>>)
      %dma_wait3A = arith.constant 0 : i32
      %dma_wait3A_43 = arith.constant 0 : i32
      %dma_wait3A_44 = tpu.memref_slice %arg2[%dma_wait3A, %dma_wait3A_43] : memref<150000x128xf32, #tpu.memory_space<hbm>> -> memref<150000x128xf32, #tpu.memory_space<hbm>>
      tpu.wait_indirect_dma semaphore(%arg20 : memref<!tpu.dma_semaphore, #tpu.memory_space<semaphore_mem>>) src(%dma_wait3A_44 : memref<150000x128xf32, #tpu.memory_space<hbm>>) dst(%arg14 : memref<128x128xf32, #tpu.memory_space<vmem>>)
      %dma_wait3A_45 = arith.constant 0 : i32
      %dma_wait3A_46 = arith.constant 0 : i32
      %dma_wait3A_47 = tpu.memref_slice %arg3[%dma_wait3A_45, %dma_wait3A_46] : memref<150000x128xf32, #tpu.memory_space<hbm>> -> memref<150000x128xf32, #tpu.memory_space<hbm>>
      tpu.wait_indirect_dma semaphore(%arg21 : memref<!tpu.dma_semaphore, #tpu.memory_space<semaphore_mem>>) src(%dma_wait3A_47 : memref<150000x128xf32, #tpu.memory_space<hbm>>) dst(%arg15 : memref<128x128xf32, #tpu.memory_space<vmem>>)
      %dma_wait3A_48 = arith.constant 0 : i32
      %dma_wait3A_49 = arith.constant 0 : i32
      %dma_wait3A_50 = tpu.memref_slice %arg4[%dma_wait3A_48, %dma_wait3A_49] : memref<100000x128xf32, #tpu.memory_space<hbm>> -> memref<100000x128xf32, #tpu.memory_space<hbm>>
      tpu.wait_indirect_dma semaphore(%arg22 : memref<!tpu.dma_semaphore, #tpu.memory_space<semaphore_mem>>) src(%dma_wait3A_50 : memref<100000x128xf32, #tpu.memory_space<hbm>>) dst(%arg16 : memref<128x128xf32, #tpu.memory_space<vmem>>)
      %dma_start3A_51 = arith.constant 0 : i32
      %dma_start3A_52 = tpu.memref_slice %arg7[%add3A_16, %dma_start3A_51] : memref<800000x128xf32, #tpu.memory_space<hbm>> -> memref<128x128xf32, #tpu.memory_space<hbm>>
      %dma_start3A_53 = arith.constant 0 : i32
      %dma_start3A_54 = tpu.memref_slice %arg7[%add3A_16, %dma_start3A_53] : memref<800000x128xf32, #tpu.memory_space<hbm>> -> memref<128x128xf32, #tpu.memory_space<hbm>>
      tpu.enqueue_dma source(%arg14 : memref<128x128xf32, #tpu.memory_space<vmem>>) target(%dma_start3A_54 : memref<128x128xf32, #tpu.memory_space<hbm>>) target_semaphore(%arg26 : memref<!tpu.dma_semaphore, #tpu.memory_space<semaphore_mem>>)
      %dma_start3A_55 = arith.constant 0 : i32
      %dma_start3A_56 = tpu.memref_slice %arg8[%add3A_16, %dma_start3A_55] : memref<800000x128xf32, #tpu.memory_space<hbm>> -> memref<128x128xf32, #tpu.memory_space<hbm>>
      %dma_start3A_57 = arith.constant 0 : i32
      %dma_start3A_58 = tpu.memref_slice %arg8[%add3A_16, %dma_start3A_57] : memref<800000x128xf32, #tpu.memory_space<hbm>> -> memref<128x128xf32, #tpu.memory_space<hbm>>
      tpu.enqueue_dma source(%arg15 : memref<128x128xf32, #tpu.memory_space<vmem>>) target(%dma_start3A_58 : memref<128x128xf32, #tpu.memory_space<hbm>>) target_semaphore(%arg27 : memref<!tpu.dma_semaphore, #tpu.memory_space<semaphore_mem>>)
      %dma_start3A_59 = arith.constant 0 : i32
      %dma_start3A_60 = tpu.memref_slice %arg9[%add3A_16, %dma_start3A_59] : memref<800000x128xf32, #tpu.memory_space<hbm>> -> memref<128x128xf32, #tpu.memory_space<hbm>>
      %dma_start3A_61 = arith.constant 0 : i32
      %dma_start3A_62 = tpu.memref_slice %arg9[%add3A_16, %dma_start3A_61] : memref<800000x128xf32, #tpu.memory_space<hbm>> -> memref<128x128xf32, #tpu.memory_space<hbm>>
      tpu.enqueue_dma source(%arg16 : memref<128x128xf32, #tpu.memory_space<vmem>>) target(%dma_start3A_62 : memref<128x128xf32, #tpu.memory_space<hbm>>) target_semaphore(%arg28 : memref<!tpu.dma_semaphore, #tpu.memory_space<semaphore_mem>>)
      %dma_wait3A_63 = arith.constant 0 : i32
      %dma_wait3A_64 = arith.constant 0 : i32
      %dma_wait3A_65 = tpu.memref_slice %arg2[%dma_wait3A_63, %dma_wait3A_64] : memref<150000x128xf32, #tpu.memory_space<hbm>> -> memref<150000x128xf32, #tpu.memory_space<hbm>>
      tpu.wait_indirect_dma semaphore(%arg23 : memref<!tpu.dma_semaphore, #tpu.memory_space<semaphore_mem>>) src(%dma_wait3A_65 : memref<150000x128xf32, #tpu.memory_space<hbm>>) dst(%arg17 : memref<128x128xf32, #tpu.memory_space<vmem>>)
      %dma_wait3A_66 = arith.constant 0 : i32
      %dma_wait3A_67 = arith.constant 0 : i32
      %dma_wait3A_68 = tpu.memref_slice %arg3[%dma_wait3A_66, %dma_wait3A_67] : memref<150000x128xf32, #tpu.memory_space<hbm>> -> memref<150000x128xf32, #tpu.memory_space<hbm>>
      tpu.wait_indirect_dma semaphore(%arg24 : memref<!tpu.dma_semaphore, #tpu.memory_space<semaphore_mem>>) src(%dma_wait3A_68 : memref<150000x128xf32, #tpu.memory_space<hbm>>) dst(%arg18 : memref<128x128xf32, #tpu.memory_space<vmem>>)
      %dma_wait3A_69 = arith.constant 0 : i32
      %dma_wait3A_70 = arith.constant 0 : i32
      %dma_wait3A_71 = tpu.memref_slice %arg4[%dma_wait3A_69, %dma_wait3A_70] : memref<100000x128xf32, #tpu.memory_space<hbm>> -> memref<100000x128xf32, #tpu.memory_space<hbm>>
      tpu.wait_indirect_dma semaphore(%arg25 : memref<!tpu.dma_semaphore, #tpu.memory_space<semaphore_mem>>) src(%dma_wait3A_71 : memref<100000x128xf32, #tpu.memory_space<hbm>>) dst(%arg19 : memref<128x128xf32, #tpu.memory_space<vmem>>)
      %dma_start3A_72 = arith.constant 0 : i32
      %dma_start3A_73 = tpu.memref_slice %arg7[%add3A_25, %dma_start3A_72] : memref<800000x128xf32, #tpu.memory_space<hbm>> -> memref<128x128xf32, #tpu.memory_space<hbm>>
      %dma_start3A_74 = arith.constant 0 : i32
      %dma_start3A_75 = tpu.memref_slice %arg7[%add3A_25, %dma_start3A_74] : memref<800000x128xf32, #tpu.memory_space<hbm>> -> memref<128x128xf32, #tpu.memory_space<hbm>>
      tpu.enqueue_dma source(%arg17 : memref<128x128xf32, #tpu.memory_space<vmem>>) target(%dma_start3A_75 : memref<128x128xf32, #tpu.memory_space<hbm>>) target_semaphore(%arg29 : memref<!tpu.dma_semaphore, #tpu.memory_space<semaphore_mem>>)
      %dma_start3A_76 = arith.constant 0 : i32
      %dma_start3A_77 = tpu.memref_slice %arg8[%add3A_25, %dma_start3A_76] : memref<800000x128xf32, #tpu.memory_space<hbm>> -> memref<128x128xf32, #tpu.memory_space<hbm>>
      %dma_start3A_78 = arith.constant 0 : i32
      %dma_start3A_79 = tpu.memref_slice %arg8[%add3A_25, %dma_start3A_78] : memref<800000x128xf32, #tpu.memory_space<hbm>> -> memref<128x128xf32, #tpu.memory_space<hbm>>
      tpu.enqueue_dma source(%arg18 : memref<128x128xf32, #tpu.memory_space<vmem>>) target(%dma_start3A_79 : memref<128x128xf32, #tpu.memory_space<hbm>>) target_semaphore(%arg30 : memref<!tpu.dma_semaphore, #tpu.memory_space<semaphore_mem>>)
      %dma_start3A_80 = arith.constant 0 : i32
      %dma_start3A_81 = tpu.memref_slice %arg9[%add3A_25, %dma_start3A_80] : memref<800000x128xf32, #tpu.memory_space<hbm>> -> memref<128x128xf32, #tpu.memory_space<hbm>>
      %dma_start3A_82 = arith.constant 0 : i32
      %dma_start3A_83 = tpu.memref_slice %arg9[%add3A_25, %dma_start3A_82] : memref<800000x128xf32, #tpu.memory_space<hbm>> -> memref<128x128xf32, #tpu.memory_space<hbm>>
      tpu.enqueue_dma source(%arg19 : memref<128x128xf32, #tpu.memory_space<vmem>>) target(%dma_start3A_83 : memref<128x128xf32, #tpu.memory_space<hbm>>) target_semaphore(%arg31 : memref<!tpu.dma_semaphore, #tpu.memory_space<semaphore_mem>>)
      %dma_wait3A_84 = arith.constant 0 : i32
      %dma_wait3A_85 = tpu.memref_slice %arg7[%add3A_16, %dma_wait3A_84] : memref<800000x128xf32, #tpu.memory_space<hbm>> -> memref<128x128xf32, #tpu.memory_space<hbm>>
      %dma_wait3A_86 = arith.constant 0 : i32
      %dma_wait3A_87 = tpu.memref_slice %arg7[%add3A_16, %dma_wait3A_86] : memref<800000x128xf32, #tpu.memory_space<hbm>> -> memref<128x128xf32, #tpu.memory_space<hbm>>
      tpu.wait_dma2 semaphore(%arg26 : memref<!tpu.dma_semaphore, #tpu.memory_space<semaphore_mem>>) src(%arg14 : memref<128x128xf32, #tpu.memory_space<vmem>>) dst(%dma_wait3A_87 : memref<128x128xf32, #tpu.memory_space<hbm>>)
      %dma_wait3A_88 = arith.constant 0 : i32
      %dma_wait3A_89 = tpu.memref_slice %arg8[%add3A_16, %dma_wait3A_88] : memref<800000x128xf32, #tpu.memory_space<hbm>> -> memref<128x128xf32, #tpu.memory_space<hbm>>
      %dma_wait3A_90 = arith.constant 0 : i32
      %dma_wait3A_91 = tpu.memref_slice %arg8[%add3A_16, %dma_wait3A_90] : memref<800000x128xf32, #tpu.memory_space<hbm>> -> memref<128x128xf32, #tpu.memory_space<hbm>>
      tpu.wait_dma2 semaphore(%arg27 : memref<!tpu.dma_semaphore, #tpu.memory_space<semaphore_mem>>) src(%arg15 : memref<128x128xf32, #tpu.memory_space<vmem>>) dst(%dma_wait3A_91 : memref<128x128xf32, #tpu.memory_space<hbm>>)
      %dma_wait3A_92 = arith.constant 0 : i32
      %dma_wait3A_93 = tpu.memref_slice %arg9[%add3A_16, %dma_wait3A_92] : memref<800000x128xf32, #tpu.memory_space<hbm>> -> memref<128x128xf32, #tpu.memory_space<hbm>>
      %dma_wait3A_94 = arith.constant 0 : i32
      %dma_wait3A_95 = tpu.memref_slice %arg9[%add3A_16, %dma_wait3A_94] : memref<800000x128xf32, #tpu.memory_space<hbm>> -> memref<128x128xf32, #tpu.memory_space<hbm>>
      tpu.wait_dma2 semaphore(%arg28 : memref<!tpu.dma_semaphore, #tpu.memory_space<semaphore_mem>>) src(%arg16 : memref<128x128xf32, #tpu.memory_space<vmem>>) dst(%dma_wait3A_95 : memref<128x128xf32, #tpu.memory_space<hbm>>)
      %dma_wait3A_96 = arith.constant 0 : i32
      %dma_wait3A_97 = tpu.memref_slice %arg7[%add3A_25, %dma_wait3A_96] : memref<800000x128xf32, #tpu.memory_space<hbm>> -> memref<128x128xf32, #tpu.memory_space<hbm>>
      %dma_wait3A_98 = arith.constant 0 : i32
      %dma_wait3A_99 = tpu.memref_slice %arg7[%add3A_25, %dma_wait3A_98] : memref<800000x128xf32, #tpu.memory_space<hbm>> -> memref<128x128xf32, #tpu.memory_space<hbm>>
      tpu.wait_dma2 semaphore(%arg29 : memref<!tpu.dma_semaphore, #tpu.memory_space<semaphore_mem>>) src(%arg17 : memref<128x128xf32, #tpu.memory_space<vmem>>) dst(%dma_wait3A_99 : memref<128x128xf32, #tpu.memory_space<hbm>>)
      %dma_wait3A_100 = arith.constant 0 : i32
      %dma_wait3A_101 = tpu.memref_slice %arg8[%add3A_25, %dma_wait3A_100] : memref<800000x128xf32, #tpu.memory_space<hbm>> -> memref<128x128xf32, #tpu.memory_space<hbm>>
      %dma_wait3A_102 = arith.constant 0 : i32
      %dma_wait3A_103 = tpu.memref_slice %arg8[%add3A_25, %dma_wait3A_102] : memref<800000x128xf32, #tpu.memory_space<hbm>> -> memref<128x128xf32, #tpu.memory_space<hbm>>
      tpu.wait_dma2 semaphore(%arg30 : memref<!tpu.dma_semaphore, #tpu.memory_space<semaphore_mem>>) src(%arg18 : memref<128x128xf32, #tpu.memory_space<vmem>>) dst(%dma_wait3A_103 : memref<128x128xf32, #tpu.memory_space<hbm>>)
      %dma_wait3A_104 = arith.constant 0 : i32
      %dma_wait3A_105 = tpu.memref_slice %arg9[%add3A_25, %dma_wait3A_104] : memref<800000x128xf32, #tpu.memory_space<hbm>> -> memref<128x128xf32, #tpu.memory_space<hbm>>
      %dma_wait3A_106 = arith.constant 0 : i32
      %dma_wait3A_107 = tpu.memref_slice %arg9[%add3A_25, %dma_wait3A_106] : memref<800000x128xf32, #tpu.memory_space<hbm>> -> memref<128x128xf32, #tpu.memory_space<hbm>>
      tpu.wait_dma2 semaphore(%arg31 : memref<!tpu.dma_semaphore, #tpu.memory_space<semaphore_mem>>) src(%arg19 : memref<128x128xf32, #tpu.memory_space<vmem>>) dst(%dma_wait3A_107 : memref<128x128xf32, #tpu.memory_space<hbm>>)
      %scan3A_108 = arith.constant 0 : i32
      scf.yield %scan3A_108 : i32
    }
    %scan3A_8 = arith.constant 98 : i32
    return
  }
}

</mosaic_0001>

<sc_bundles>
// kernel: _sc_gather3.3.cloned.1.call-start
scs
__scs_entry_jumppad:
0x0: {  	(pc) =	sbr.rel $0x88, $3  }
0x1: {  	(tag) =	ssettag $0x0;
	lr =	simm.s32 $0x1  }
0x2: {  	[smem:$0x3F9C] =	sst lr;
	_ =	strace $0xD0000000  }
0x3: {  	_ = 	snop  }
0x4: {  	_ = 	snop  }
0x5: {  	_ = 	snop  }
0x6: {  	_ = 	snop  }
0x7: {  	_ = 	snop  }
__scs_overlays_trampoline_lowered:
0x8: {  	[smem:$0x3FAB] =	sst s0  }
0x9: {  	[smem:$0x3FAC] =	sst s1  }
0xa: {  	[smem:$0x3FAD] =	sst s2  }
0xb: {  	[smem:$0x3FAE] =	sst s3  }
0xc: {  	[smem:$0x3FAF] =	sst s4  }
0xd: {  	[smem:$0x3FB0] =	sst s5  }
0xe: {  	[smem:$0x3FB1] =	sst s6  }
0xf: {  	[smem:$0x3FB2] =	sst s7  }
0x10: {  	[smem:$0x3FB3] =	sst s8  }
0x11: {  	[smem:$0x3FB4] =	sst s9;
	s0 =	simm.s32 @!p0 $0x0  }
0x12: {  	s1 =	sld [smem:$0x3F9A];
	s0 =	simm.s32 @p0 $0x1  }
0x13: {  	[smem:$0x3FB5] =	sst s0;
	s0 =	simm.s32 @!p1 $0x0  }
0x14: {  	s2 =	sld [smem:$0x3F99];
	s0 =	simm.s32 @p1 $0x1  }
0x15: {  	[smem:$0x3FB6] =	sst s0;
	s0 =	simm.s32 @!p2 $0x0  }
0x16: {  	s3 =	sld [smem:$0x3FDB];
	s0 =	simm.s32 @p2 $0x1  }
0x17: {  	s4 =	simm.s32 $0x1BF5;
	[smem:$0x3FB8] =	sst s0  }
0x18: {  	s0 =	sld [smem:$0x3F9B];
	_ =	swait.ge [sflag:s4], $0x0  }
0x19: {  	s7 =	sld [smem:$0x3F9C]  }
0x1a: {  	s8 =	sadd.s32 $0xFFFFE003, lr  }
0x1b: {  	s9 =	sadd.s32 $0xFFFFFEF7, lr;
	s5 =	simm.s32 $0xFFFFFFFF;
	p2 =	slt.u32 s8, $0xFFFFF086  }
0x1c: {  	p1 =	slt.u32 s9, $0xF7A;
	s5 =	simm.s32 @!p2 $0x0  }
0x1d: {  	s5 =	simm.s32 @p1 $0x1;
	p0 =	seq.s32 s7, s2  }
0x1e: {  	s7 =	smul.u32 @!p0 $0xF7A, s2;
	p2 =	seq.s32 @!p0 s5, $0x0  }
0x1f: {  	s9 =	smul.u32 $0xF7A, s1;
	s8 =	simm.s32 @!p0 $0x1BF5;
	p2 =	por !p2, p0  }
0x20: {  	[sflag:s8] =	ssyncset.s32 @!p0 $0xFFFFF086;
	s6 =	sadd.s32 @!p0 s3, s7;
	s7 =	simm.s32 @!p0 $0x108  }
0x21: {  	s3 =	sadd.s32 s3, s9;
	s6 =	sadd.s32 @!p0 $0x88, s6;
	s7 =	simm.s32 @p2 $0x1082  }
0x22: {  	[simem:s7], [sflag:s8] =	dma.local @!p0 [hbm:s6], $0xF7A  }
0x23: {  	s9 =	sor.u32 $0xD0000000, s2;
	s6 =	simm.s32 $0x108;
	_ =	swait.ge @!p0 [sflag:s8], $0x0  }
0x24: {  	s3 =	sadd.s32 $0x88, s3;
	s6 =	simm.s32 @!p1 $0x1082;
	[sflag:s4] =	ssyncset.s32 $0xFFFFF086  }
0x25: {  	[simem:s6], [sflag:s4] =	dma.local [hbm:s3], $0xF7A  }
0x26: {  	[smem:$0x3F9C] =	sst s1;
	(tag) =	ssettag s2;
	_ =	strace s9  }
0x27: {  	s1 =	sld [smem:$0x3FAC]  }
0x28: {  	s2 =	sld [smem:$0x3FAD]  }
0x29: {  	s4 =	sld [smem:$0x3FAF]  }
0x2a: {  	p0 =	seq.s32 s5, $0x0;
	s5 =	sld [smem:$0x3FB0]  }
0x2b: {  	s6 =	sld [smem:$0x3FB1]  }
0x2c: {  	s7 =	sld [smem:$0x3FB2]  }
0x2d: {  	s3 =	simm.s32 $0x108;
	s8 =	sld [smem:$0x3FB3]  }
0x2e: {  	s3 =	simm.s32 @!p0 $0x1082;
	s9 =	sld [smem:$0x3FB4]  }
0x2f: {  	lr =	sadd.s32 s0, s3;
	s0 =	sld [smem:$0x3FAB]  }
0x30: {  	s3 =	sld [smem:$0x3FAE]  }
0x31: {  	[smem:$0x3FB7] =	sst s10  }
0x32: {  	s10 =	sld [smem:$0x3FB5];
	_ =	sdelay $0x3  }
0x33: {  	p0 =	seq.s32 s10, $0x1;
	s10 =	sld [smem:$0x3FB7];
	_ =	sdelay $0x3  }
0x34: {  	[smem:$0x3FB7] =	sst s10  }
0x35: {  	s10 =	sld [smem:$0x3FB6];
	_ =	sdelay $0x3  }
0x36: {  	p1 =	seq.s32 s10, $0x1;
	s10 =	sld [smem:$0x3FB7];
	_ =	sdelay $0x3  }
0x37: {  	[smem:$0x3FB7] =	sst s10  }
0x38: {  	s10 =	sld [smem:$0x3FB8]  }
0x39: {  	_ = 	snop;
	(pc) =	sbr.ind lr, $3  }
0x3a: {  	_ = 	snop  }
0x3b: {  	_ = 	snop  }
0x3c: {  	p2 =	seq.s32 s10, $0x1;
	s10 =	sld [smem:$0x3FB7]  }
0x3d: {  	_ =	shalt  }
0x3e: {  	_ =	shalt  }
0x3f: {  	_ =	shalt  }
0x40: {  	_ =	shalt  }
0x41: {  	_ =	shalt  }
0x42: {  	_ =	shalt  }
0x43: {  	_ =	shalt  }
0x44: {  	_ =	shalt  }
0x45: {  	_ =	shalt  }
0x46: {  	_ =	shalt  }
0x47: {  	_ =	shalt  }
0x48: {  	_ =	shalt  }
0x49: {  	_ =	shalt  }
0x4a: {  	_ =	shalt  }
0x4b: {  	_ =	shalt  }
0x4c: {  	_ =	shalt  }
0x4d: {  	_ =	shalt  }
0x4e: {  	_ =	shalt  }
0x4f: {  	_ =	shalt  }
0x50: {  	_ =	shalt  }
0x51: {  	_ =	shalt  }
0x52: {  	_ =	shalt  }
0x53: {  	_ =	shalt  }
0x54: {  	_ =	shalt  }
0x55: {  	_ =	shalt  }
0x56: {  	_ =	shalt  }
0x57: {  	_ =	shalt  }
0x58: {  	_ =	shalt  }
0x59: {  	_ =	shalt  }
0x5a: {  	_ =	shalt  }
0x5b: {  	_ =	shalt  }
0x5c: {  	_ =	shalt  }
0x5d: {  	_ =	shalt  }
0x5e: {  	_ =	shalt  }
0x5f: {  	_ =	shalt  }
0x60: {  	_ =	shalt  }
0x61: {  	_ =	shalt  }
0x62: {  	_ =	shalt  }
0x63: {  	_ =	shalt  }
0x64: {  	_ =	shalt  }
0x65: {  	_ =	shalt  }
0x66: {  	_ =	shalt  }
0x67: {  	_ =	shalt  }
0x68: {  	_ =	shalt  }
0x69: {  	_ =	shalt  }
0x6a: {  	_ =	shalt  }
0x6b: {  	_ =	shalt  }
0x6c: {  	_ =	shalt  }
0x6d: {  	_ =	shalt  }
0x6e: {  	_ =	shalt  }
0x6f: {  	_ =	shalt  }
0x70: {  	_ =	shalt  }
0x71: {  	_ =	shalt  }
0x72: {  	_ =	shalt  }
0x73: {  	_ =	shalt  }
0x74: {  	_ =	shalt  }
0x75: {  	_ =	shalt  }
0x76: {  	_ =	shalt  }
0x77: {  	_ =	shalt  }
0x78: {  	_ =	shalt  }
0x79: {  	_ =	shalt  }
0x7a: {  	_ =	shalt  }
0x7b: {  	_ =	shalt  }
0x7c: {  	_ =	shalt  }
0x7d: {  	_ =	shalt  }
0x7e: {  	_ =	shalt  }
0x7f: {  	_ =	shalt  }
0x80: {  	_ =	shalt  }
0x81: {  	_ =	shalt  }
0x82: {  	_ =	shalt  }
0x83: {  	_ =	shalt  }
0x84: {  	_ =	shalt  }
0x85: {  	_ =	shalt  }
0x86: {  	_ =	shalt  }
0x87: {  	_ =	shalt  }
.Lfunc_end0:
.L_simem_size_0:
called_computation_lowered:
.L_overlay_start_0:
0x88: {  	s2 =	sld [smem:$0x3FD9]  }
0x89: {  	s3 =	sld [smem:$0x3FFE];
	_ =	sdelay $0x1  }
0x8a: {  	s1 =	srdreg.scid  }
0x8b: {  	s0 =	sand.u32 $0x1, s1  }
0x8c: {  	s15 =	sshll.u32 s0, $0xA;
	s2 =	sadd.s32 s3, s2  }
0x8d: {  	s2 =	sadd.s32 s2, s15  }
0x8e: {  	[smem:$0x3FC3] =	sst s2  }
0x8f: {  	_ = 	snop  }
0x90: {  	s2 =	sld [smem:$0x3FC9]  }
0x91: {  	s16 =	sld [smem:$0x3FC8]  }
0x92: {  	s4 =	sld [smem:$0x3FD0]  }
0x93: {  	s5 =	sld [smem:$0x3FC7]  }
0x94: {  	s6 =	sld [smem:$0x3FC6]  }
0x95: {  	s8 =	simm.s32 $0xA;
	s9 =	simm.s32 $0x10;
	s7 =	sld [smem:$0x3FC5]  }
0x96: {  	[smem:s9], [sflag:s8] =	dma.local [hbm:s4], $0x1  }
0x97: {  	_ =	swait.eq [sflag:s8], $0x1  }
0x98: {  	s17 =	sld [smem:$0x10];
	[sflag:s8] =	ssyncset.done $0x0  }
0x99: {  	s18 =	sld [smem:$0x11];
	[sflag:s8] =	ssyncadd.s32 $0xFFFFFFFF  }
0x9a: {  	s19 =	sld [smem:$0x12];
	(tm) =	ssettm $0x1  }
0x9b: {  	s10 =	sld [smem:$0x3FFB];
	_ =	sdelay $0x3  }
0x9c: {  	_ =	strace s10  }
0x9d: {  	s10 =	sld [smem:$0x3FFC];
	_ =	sdelay $0x3  }
0x9e: {  	_ =	strace s10  }
0x9f: {  	s10 =	sld [smem:$0x3FFD];
	_ =	sdelay $0x3  }
0xa0: {  	_ =	strace s10  }
0xa1: {  	_ =	strace $0x8FFFFFFF  }
0xa2: {  	s20 =	sld [smem:$0x3FDB];
	_ =	sdelay $0x1  }
0xa3: {  	s11 =	simm.s32 $_scs_section_size  }
0xa4: {  	s12 =	simm.s32 $_size__tile_overlayer_lowered;
	s13 =	simm.s32 $_tile_overlayer_lowered  }
0xa5: {  	s23 =	simm.s32 $0x1BFF;
	s22 =	sshll.u32 s13, $0x1;
	s10 =	sadd.s32 s11, s20  }
0xa6: {  	s14 =	simm.s32 $0x0;
	s21 =	sshll.u32 s12, $0x1;
	s12 =	sadd.s32 s22, s10  }
0xa7: {  	[timem:s14], [sflag:s23] =	dma.local [hbm:s12], s21  }
0xa8: {  	_ =	swait.ge [sflag:s23], s21  }
0xa9: {  	s11 =	ssub.s32 $0x0, s21;
	[sflag:s23] =	ssyncset.done $0x0  }
0xaa: {  	[sflag:s23] =	ssyncadd.s32 s11;
	_ =	sdelay $0x1  }
0xab: {  	s24 =	simm.s32 $0x1B8B  }
0xac: {  	_ =	swait.ge [sflag:s24], $0x1  }
0xad: {  	[sflag:s24] =	ssyncset.done $0x0  }
0xae: {  	s25 =	simm.s32 $0x1B8E;
	[sflag:s24] =	ssyncadd.s32 $0xFFFFFFFF  }
0xaf: {  	s26 =	simm.s32 $execute0_lowered;
	[smem:$0x3FD2] =	sst s25  }
0xb0: {  	s11 =	sshll.u32 s26, $0x1;
	_ =	strace $0x80000046;
	[dreg:$0x1] =	wrdreg $0xFFFFFFFF  }
0xb1: {  	s28 =	simm.s32 $_size_execute0_lowered;
	s10 =	sadd.s32 s10, s11;
	[dreg:$0x0] =	wrdreg $0x0  }
0xb2: {  	s11 =	sshll.u32 s28, $0x1;
	[dreg:$0x2] =	wrdreg s10  }
0xb3: {  	[dreg:$0x3] =	wrdreg s11  }
0xb4: {  	[dreg:$0x4] =	wrdreg $0xC0  }
0xb5: {  	_ =	task [dreg:s14], $0x5FFFF  }
0xb6: {  	[dreg:$0x1] =	wrdreg $0xFFFFFFFF  }
0xb7: {  	[dreg:$0x0] =	wrdreg $0x60  }
0xb8: {  	[dreg:$0x2] =	wrdreg s2  }
0xb9: {  	[dreg:$0x3] =	wrdreg s16  }
0xba: {  	[dreg:$0x4] =	wrdreg s5  }
0xbb: {  	[dreg:$0x5] =	wrdreg s6  }
0xbc: {  	[dreg:$0x6] =	wrdreg s7  }
0xbd: {  	[dreg:$0x7] =	wrdreg s17  }
0xbe: {  	[dreg:$0x8] =	wrdreg s18  }
0xbf: {  	[dreg:$0x9] =	wrdreg s19  }
0xc0: {  	[dreg:$0xa] =	wrdreg $0x9  }
0xc1: {  	_ =	task.clear_ibuf [dreg:s14], $0xBFFFF;
	_ =	strace $0x90000046  }
0xc2: {  	s29 =	simm.s32 $0x9;
	_ =	strace $0x80000048  }
0xc3: {  	_ =	swait.ge [sflag:s29], $0x1  }
0xc4: {  	[sflag:s29] =	ssyncadd.s32 $0xFFFFFFFF  }
0xc5: {  	_ =	strace $0x90000048  }
0xc6: {  	_ =	sfence  }
0xc7: {  	s30 =	sld [smem:$0x0];
	_ =	sdelay $0x2  }
0xc8: {  	s31 =	sshll.u32 s1, $0xD;
	s1 =	sshrl.u32 s1, $0x2  }
0xc9: {  	s3 =	sand.u32 $0x4000, s31;
	s1 =	sadd.s32 s1, s30  }
0xca: {  	s0 =	sor.u32 s3, s0;
	s1 =	sshll.u32 s1, $0x11  }
0xcb: {  	s0 =	sor.u32 s1, s0  }
0xcc: {  	s0 =	sadd.s32 $0x8F2B, s0  }
0xcd: {  	[sflag:s0] =	ssyncadd.remote.s32 $0x1  }
0xce: {  	_ =	sfence.sel $0xFFFF  }
0xcf: {  	[dreg:$0x0] =	wrdreg $0xFFFFFFFF;
	(pc) =	sbr.abs _section_cstart, $3  }
0xd0: {  	[dreg:$0x1] =	wrdreg $0xFFFFFFFF  }
0xd1: {  	_ =	task.clear_ibuf [dreg:s14], $0x2FFFF;
	_ =	strace $0x9FFFFFFF  }
0xd2: {  	(tm) =	ssettm $0x7FFFFFFF  }
0xd3: {  	_ =	shalt  }
tec
execute0_lowered:
.L_overlay_start_1:
0x0: {  	(tag) =	ssettag $0x1  }
0x1: {  	s16 =	rddreg [dreg:$0x0]  }
0x2: {  	s17 =	rddreg [dreg:$0x1]  }
0x3: {  	s18 =	rddreg [dreg:$0x2]  }
0x4: {  	s20 =	rddreg [dreg:$0x3]  }
0x5: {  	s21 =	rddreg [dreg:$0x4]  }
0x6: {  	s2 =	rddreg [dreg:$0x5]  }
0x7: {  	s0 =	srdreg.scid;
	s22 =	rddreg [dreg:$0x6]  }
0x8: {  	s1 =	stileid.u32;
	s19 =	rddreg [dreg:$0x7];
	s10 =	simm.s32 $0x0  }
0x9: {  	s14 =	simm.s32 $0xD;
	s15 =	simm.s32 $0x80;
	s23 =	simm.s32 $0x4200  }
0xa: {  	s31 =	simm.s32 $0xC200;
	s28 =	simm.s32 $0x3;
	s12 =	simm.s32 $0x9  }
0xb: {  	s11 =	simm.s32 $0x8;
	s13 =	simm.s32 $0xA;
	s4 =	smul.u32 $0xC3500, s1  }
0xc: {  	s0 =	sand.u32 $0x1, s0;
	s3 =	sshll.u32 s1, $0x1;
	s9 =	smul.u32 $0xC350, s1  }
0xd: {  	[smem:$0x7FF] =	sst s10;
	s1 =	simm.s32 $0x10200;
	s6 =	smul.u32 $0x61A80, s0  }
0xe: {  	s3 =	sor.u32 s0, s3;
	s5 =	ssub.s32 $0x2, s0;
	s0 =	smul.u32 $0x61A8, s0  }
0xf: {  	_ =	strace $0x80000047;
	s3 =	smul.u32 $0x61A8, s3;
	s7 =	sshrl.u32 s5, $0x1  }
0x10: {  	s8 =	sadd.s32 s4, s2;
	s25 =	sadd.s32 s4, s22;
	s4 =	sadd.s32 s4, s19  }
0x11: {  	s24 =	sadd.s32 s6, s8;
	s5 =	ssub.s32 s5, s7;
	s0 =	sadd.s32 s0, s9  }
0x12: {  	s26 =	sadd.s32 s6, s4;
	s9 =	simm.s32 $0x200;
	[dreg:$0x9] =	wrdreg s3  }
0x13: {  	s8 =	simm.s32 $0x14200;
	s7 =	simm.s32 $0x1;
	[dreg:$0xa] =	wrdreg s24  }
0x14: {  	s3 =	sadd.s32 s6, s25;
	s0 =	sshrl.u32 s0, $0x3;
	[dreg:$0xc] =	wrdreg s26  }
0x15: {  	s29 =	smax.u32 s5, $0x1;
	s24 =	simm.s32 $0x8200;
	[dreg:$0xb] =	wrdreg s3  }
0x16: {  	s6 =	simm.s32 $0x100;
	[dreg:$0xd] =	wrdreg s29;
	s30 =	sadd.s32 s0, s21  }
0x17: {  	s25 =	simm.s32 $0x180;
	s0 =	sadd.s32 s0, s20;
	[dreg:$0xe] =	wrdreg s30  }
0x18: {  	s26 =	simm.s32 $0x2;
	s3 =	simm.s32 $0x0;
	[dreg:$0xf] =	wrdreg s0  }
.LBB2_1:
0x19: {  	[dreg:$0x10] =	wrdreg s3  }
0x1a: {  	s29 =	rddreg [dreg:$0xf]  }
0x1b: {  	[tilespmem:s10], [sflag:$0xD] =	stream.linear.gather [hbm4b:s29+s10], $0x80, $0x38;
	[tilespmem:$0x18200] =	vst v63  }
0x1c: {  	s0 =	rddreg [dreg:$0x9];
	_ =	swait.ge [sflag:s14], $0x80  }
0x1d: {  	[sflag:s14] =	ssyncset.done $0x0  }
0x1e: {  	s30 =	rddreg [dreg:$0xe];
	[sflag:s14] =	ssyncadd.s32 $0xFFFFFF80  }
0x1f: {  	[tilespmem:s15], [sflag:$0xD] =	stream.linear.gather [hbm4b:s30+s10], $0x80, $0x38;
	[tilespmem:$0x18200] =	vst v63  }
0x20: {  	_ =	swait.ge [sflag:s14], $0x80  }
0x21: {  	[sflag:s14] =	ssyncset.done $0x0  }
0x22: {  	s4 =	smin.u32 s15, $0x6128;
	[sflag:s14] =	ssyncadd.s32 $0xFFFFFF80  }
0x23: {  	[tilespmem:s9], [sflag:$0x1] =	stream.indirect.gather [hbm4b:s16+s15], $0x80, s10, s15, $0xb8;
	[tilespmem:$0x18200] =	vst v63  }
0x24: {  	s0 =	sadd.s32 s0, s4  }
0x25: {  	[tilespmem:s23], [sflag:$0x2] =	stream.indirect.gather [hbm4b:s17+s15], $0x80, s10, s15, $0xb8;
	[tilespmem:$0x18200] =	vst v63  }
0x26: {  	s4 =	sshrl.u32 s0, $0x3  }
0x27: {  	[tilespmem:s24], [sflag:$0x3] =	stream.indirect.gather [hbm4b:s18+s15], $0x80, s15, s15, $0xb8;
	[tilespmem:$0x18200] =	vst v63  }
0x28: {  	s5 =	sadd.s32 s20, s4  }
0x29: {  	[tilespmem:s6], [sflag:$0xD] =	stream.linear.gather [hbm4b:s5+s10], $0x80, $0x38;
	[tilespmem:$0x18200] =	vst v63  }
0x2a: {  	_ =	swait.ge [sflag:s14], $0x80  }
0x2b: {  	[sflag:s14] =	ssyncset.done $0x0  }
0x2c: {  	s4 =	sadd.s32 s21, s4;
	[sflag:s14] =	ssyncadd.s32 $0xFFFFFF80  }
0x2d: {  	[tilespmem:s25], [sflag:$0xD] =	stream.linear.gather [hbm4b:s4+s10], $0x80, $0x38;
	[tilespmem:$0x18200] =	vst v63  }
0x2e: {  	_ =	swait.ge [sflag:s14], $0x80  }
0x2f: {  	[sflag:s14] =	ssyncset.done $0x0  }
0x30: {  	[sflag:s14] =	ssyncadd.s32 $0xFFFFFF80  }
0x31: {  	[tilespmem:s31], [sflag:$0x4] =	stream.indirect.gather [hbm4b:s16+s15], $0x80, s6, s15, $0xb8;
	[tilespmem:$0x18200] =	vst v63  }
0x32: {  	_ = 	snop  }
0x33: {  	[tilespmem:s1], [sflag:$0x5] =	stream.indirect.gather [hbm4b:s17+s15], $0x80, s6, s15, $0xb8;
	[tilespmem:$0x18200] =	vst v63  }
0x34: {  	_ = 	snop  }
0x35: {  	[tilespmem:s8], [sflag:$0x6] =	stream.indirect.gather [hbm4b:s18+s15], $0x80, s25, s15, $0xb8;
	[tilespmem:$0x18200] =	vst v63  }
0x36: {  	_ =	swait.ge [sflag:s7], $0x4000  }
0x37: {  	[sflag:s7] =	ssyncset.done $0x0  }
0x38: {  	[sflag:s7] =	ssyncadd.s32 $0xFFFFC000  }
0x39: {  	_ =	swait.ge [sflag:s26], $0x4000  }
0x3a: {  	[sflag:s26] =	ssyncset.done $0x0  }
0x3b: {  	[sflag:s26] =	ssyncadd.s32 $0xFFFFC000  }
0x3c: {  	_ =	swait.ge [sflag:s28], $0x4000  }
0x3d: {  	s7 =	rddreg [dreg:$0xa];
	[sflag:s28] =	ssyncset.done $0x0  }
0x3e: {  	s25 =	rddreg [dreg:$0xb];
	[sflag:s28] =	ssyncadd.s32 $0xFFFFC000;
	s4 =	sadd.s32 $0x0, s7  }
0x3f: {  	[hbm4b:s4+s10] =	stream.linear.scatter [tilespmem:s9], [sflag:$0x7], $0x4000, $0x38;
	[tilespmem:$0x18200] =	vst v63  }
0x40: {  	s26 =	rddreg [dreg:$0xc];
	s3 =	sadd.s32 $0x0, s25  }
0x41: {  	[hbm4b:s3+s10] =	stream.linear.scatter [tilespmem:s23], [sflag:$0x8], $0x4000, $0x38;
	[tilespmem:$0x18200] =	vst v63  }
0x42: {  	s6 =	simm.s32 $0x4;
	s5 =	sadd.s32 $0x0, s26  }
0x43: {  	[hbm4b:s5+s10] =	stream.linear.scatter [tilespmem:s24], [sflag:$0x9], $0x4000, $0x38;
	[tilespmem:$0x18200] =	vst v63  }
0x44: {  	_ =	swait.ge [sflag:s6], $0x4000  }
0x45: {  	[sflag:s6] =	ssyncset.done $0x0  }
0x46: {  	s7 =	simm.s32 $0x5;
	[sflag:s6] =	ssyncadd.s32 $0xFFFFC000  }
0x47: {  	_ =	swait.ge [sflag:s7], $0x4000  }
0x48: {  	[sflag:s7] =	ssyncset.done $0x0  }
0x49: {  	s9 =	simm.s32 $0x6;
	[sflag:s7] =	ssyncadd.s32 $0xFFFFC000  }
0x4a: {  	_ =	swait.ge [sflag:s9], $0x4000  }
0x4b: {  	s0 =	sshll.u32 s0, $0x4;
	[sflag:s9] =	ssyncset.done $0x0  }
0x4c: {  	s23 =	sadd.s32 s2, s0;
	[sflag:s9] =	ssyncadd.s32 $0xFFFFC000  }
0x4d: {  	[hbm4b:s23+s10] =	stream.linear.scatter [tilespmem:s31], [sflag:$0xA], $0x4000, $0x38;
	[tilespmem:$0x18200] =	vst v63  }
0x4e: {  	s25 =	sadd.s32 s22, s0  }
0x4f: {  	[hbm4b:s25+s10] =	stream.linear.scatter [tilespmem:s1], [sflag:$0xB], $0x4000, $0x38;
	[tilespmem:$0x18200] =	vst v63  }
0x50: {  	s0 =	sadd.s32 s19, s0;
	s31 =	simm.s32 $0x7  }
0x51: {  	[hbm4b:s0+s10] =	stream.linear.scatter [tilespmem:s8], [sflag:$0xC], $0x4000, $0x38;
	[tilespmem:$0x18200] =	vst v63  }
0x52: {  	_ =	swait.ge [sflag:s31], $0x4000  }
0x53: {  	[sflag:s31] =	ssyncset.done $0x0  }
0x54: {  	[sflag:s31] =	ssyncadd.s32 $0xFFFFC000  }
0x55: {  	_ =	swait.ge [sflag:s11], $0x4000  }
0x56: {  	[sflag:s11] =	ssyncset.done $0x0  }
0x57: {  	[sflag:s11] =	ssyncadd.s32 $0xFFFFC000  }
0x58: {  	_ =	swait.ge [sflag:s12], $0x4000  }
0x59: {  	[sflag:s12] =	ssyncset.done $0x0  }
0x5a: {  	[sflag:s12] =	ssyncadd.s32 $0xFFFFC000  }
0x5b: {  	_ =	swait.ge [sflag:s13], $0x4000  }
0x5c: {  	[sflag:s13] =	ssyncset.done $0x0  }
0x5d: {  	s12 =	simm.s32 $0xB;
	[sflag:s13] =	ssyncadd.s32 $0xFFFFC000  }
0x5e: {  	_ =	swait.ge [sflag:s12], $0x4000  }
0x5f: {  	[sflag:s12] =	ssyncset.done $0x0  }
0x60: {  	s28 =	simm.s32 $0x9;
	s26 =	simm.s32 $0xC;
	[sflag:s12] =	ssyncadd.s32 $0xFFFFC000  }
0x61: {  	s4 =	simm.s32 $0x1000;
	s5 =	sadd.s32 $0x20, s29;
	_ =	swait.ge [sflag:s26], $0x4000  }
0x62: {  	s6 =	simm.s32 $0x180;
	s8 =	smov.u32 s30;
	[sflag:s26] =	ssyncset.done $0x0  }
.LBB2_2:
0x63: {  	s7 =	simm.s32 $0xC  }
0x64: {  	[sflag:s7] =	ssyncadd.s32 $0xFFFFC000  }
0x65: {  	[tilespmem:s10], [sflag:$0xD] =	stream.linear.gather [hbm4b:s5+s10], $0x80, $0x38;
	[tilespmem:$0x18200] =	vst v63  }
0x66: {  	s9 =	rddreg [dreg:$0x9];
	_ =	swait.ge [sflag:s14], $0x80  }
0x67: {  	[sflag:s14] =	ssyncset.done $0x0  }
0x68: {  	s8 =	sadd.s32 $0x20, s8;
	[sflag:s14] =	ssyncadd.s32 $0xFFFFFF80  }
0x69: {  	[tilespmem:s15], [sflag:$0xD] =	stream.linear.gather [hbm4b:s8+s10], $0x80, $0x38;
	[tilespmem:$0x18200] =	vst v63  }
0x6a: {  	_ =	swait.ge [sflag:s14], $0x80  }
0x6b: {  	[sflag:s14] =	ssyncset.done $0x0  }
0x6c: {  	s1 =	smin.u32 s6, $0x6128;
	s29 =	simm.s32 $0x200;
	[sflag:s14] =	ssyncadd.s32 $0xFFFFFF80  }
0x6d: {  	[tilespmem:s29], [sflag:$0x1] =	stream.indirect.gather [hbm4b:s16+s15], $0x80, s10, s15, $0xb8;
	[tilespmem:$0x18200] =	vst v63  }
0x6e: {  	s30 =	simm.s32 $0x4200;
	s1 =	sadd.s32 s9, s1  }
0x6f: {  	[tilespmem:s30], [sflag:$0x2] =	stream.indirect.gather [hbm4b:s17+s15], $0x80, s10, s15, $0xb8;
	[tilespmem:$0x18200] =	vst v63  }
0x70: {  	s3 =	sshrl.u32 s1, $0x3  }
0x71: {  	[tilespmem:s24], [sflag:$0x3] =	stream.indirect.gather [hbm4b:s18+s15], $0x80, s15, s15, $0xb8;
	[tilespmem:$0x18200] =	vst v63  }
0x72: {  	s25 =	sadd.s32 s20, s3;
	s24 =	simm.s32 $0x100  }
0x73: {  	[tilespmem:s24], [sflag:$0xD] =	stream.linear.gather [hbm4b:s25+s10], $0x80, $0x38;
	[tilespmem:$0x18200] =	vst v63  }
0x74: {  	_ =	swait.ge [sflag:s14], $0x80  }
0x75: {  	s23 =	smov.u32 s2;
	[sflag:s14] =	ssyncset.done $0x0  }
0x76: {  	s2 =	simm.s32 $0x180;
	s26 =	sadd.s32 s21, s3;
	[sflag:s14] =	ssyncadd.s32 $0xFFFFFF80  }
0x77: {  	[tilespmem:s2], [sflag:$0xD] =	stream.linear.gather [hbm4b:s26+s10], $0x80, $0x38;
	[tilespmem:$0x18200] =	vst v63  }
0x78: {  	_ =	swait.ge [sflag:s14], $0x80  }
0x79: {  	[sflag:s14] =	ssyncset.done $0x0  }
0x7a: {  	s25 =	simm.s32 $0xC200;
	[sflag:s14] =	ssyncadd.s32 $0xFFFFFF80  }
0x7b: {  	[tilespmem:s25], [sflag:$0x4] =	stream.indirect.gather [hbm4b:s16+s15], $0x80, s24, s15, $0xb8;
	[tilespmem:$0x18200] =	vst v63  }
0x7c: {  	s3 =	simm.s32 $0x10200  }
0x7d: {  	[tilespmem:s3], [sflag:$0x5] =	stream.indirect.gather [hbm4b:s17+s15], $0x80, s24, s15, $0xb8;
	[tilespmem:$0x18200] =	vst v63  }
0x7e: {  	s26 =	simm.s32 $0x14200  }
0x7f: {  	[tilespmem:s26], [sflag:$0x6] =	stream.indirect.gather [hbm4b:s18+s15], $0x80, s2, s15, $0xb8;
	[tilespmem:$0x18200] =	vst v63  }
0x80: {  	s2 =	simm.s32 $0x1  }
0x81: {  	_ =	swait.ge [sflag:s2], $0x4000  }
0x82: {  	[sflag:s2] =	ssyncset.done $0x0  }
0x83: {  	s24 =	simm.s32 $0x2;
	[sflag:s2] =	ssyncadd.s32 $0xFFFFC000  }
0x84: {  	_ =	swait.ge [sflag:s24], $0x4000  }
0x85: {  	[sflag:s24] =	ssyncset.done $0x0  }
0x86: {  	[sflag:s24] =	ssyncadd.s32 $0xFFFFC000;
	s24 =	simm.s32 $0x3  }
0x87: {  	_ =	swait.ge [sflag:s24], $0x4000  }
0x88: {  	s9 =	sshll.u32 s1, $0x4;
	s1 =	rddreg [dreg:$0xa];
	[sflag:s24] =	ssyncset.done $0x0  }
0x89: {  	s0 =	smov.u32 s4;
	s2 =	rddreg [dreg:$0xb];
	[sflag:s24] =	ssyncadd.s32 $0xFFFFC000  }
0x8a: {  	s1 =	sadd.s32 s0, s1;
	s24 =	smov.u32 s19;
	s19 =	smov.u32 s22  }
0x8b: {  	s22 =	smov.u32 s21;
	s21 =	smov.u32 s20;
	s20 =	smov.u32 s18  }
0x8c: {  	s18 =	smov.u32 s17;
	s17 =	smov.u32 s16;
	s16 =	rddreg [dreg:$0xc]  }
0x8d: {  	[hbm4b:s1+s10] =	stream.linear.scatter [tilespmem:s29], [sflag:$0x7], $0x4000, $0x38;
	[tilespmem:$0x18200] =	vst v63  }
0x8e: {  	s29 =	sadd.s32 s0, s2;
	s0 =	sadd.s32 s0, s16  }
0x8f: {  	s16 =	smov.u32 s17;
	s17 =	smov.u32 s18;
	s18 =	smov.u32 s20  }
0x90: {  	s20 =	smov.u32 s21;
	s21 =	smov.u32 s22;
	s22 =	smov.u32 s19  }
0x91: {  	[hbm4b:s29+s10] =	stream.linear.scatter [tilespmem:s30], [sflag:$0x8], $0x4000, $0x38;
	[tilespmem:$0x18200] =	vst v63  }
0x92: {  	s19 =	smov.u32 s24;
	s24 =	simm.s32 $0x8200;
	s29 =	simm.s32 $0x4  }
0x93: {  	[hbm4b:s0+s10] =	stream.linear.scatter [tilespmem:s24], [sflag:$0x9], $0x4000, $0x38;
	[tilespmem:$0x18200] =	vst v63  }
0x94: {  	_ =	swait.ge [sflag:s29], $0x4000  }
0x95: {  	[sflag:s29] =	ssyncset.done $0x0  }
0x96: {  	s30 =	simm.s32 $0x5;
	[sflag:s29] =	ssyncadd.s32 $0xFFFFC000  }
0x97: {  	_ =	swait.ge [sflag:s30], $0x4000  }
0x98: {  	[sflag:s30] =	ssyncset.done $0x0  }
0x99: {  	s1 =	simm.s32 $0x6;
	[sflag:s30] =	ssyncadd.s32 $0xFFFFC000  }
0x9a: {  	_ =	swait.ge [sflag:s1], $0x4000  }
0x9b: {  	[sflag:s1] =	ssyncset.done $0x0  }
0x9c: {  	s2 =	smov.u32 s23;
	s23 =	sadd.s32 s23, s9;
	[sflag:s1] =	ssyncadd.s32 $0xFFFFC000  }
0x9d: {  	[hbm4b:s23+s10] =	stream.linear.scatter [tilespmem:s25], [sflag:$0xA], $0x4000, $0x38;
	[tilespmem:$0x18200] =	vst v63  }
0x9e: {  	s29 =	sadd.s32 s22, s9  }
0x9f: {  	[hbm4b:s29+s10] =	stream.linear.scatter [tilespmem:s3], [sflag:$0xB], $0x4000, $0x38;
	[tilespmem:$0x18200] =	vst v63  }
0xa0: {  	s30 =	sadd.s32 s19, s9  }
0xa1: {  	[hbm4b:s30+s10] =	stream.linear.scatter [tilespmem:s26], [sflag:$0xC], $0x4000, $0x38;
	[tilespmem:$0x18200] =	vst v63  }
0xa2: {  	_ =	swait.ge [sflag:s31], $0x4000  }
0xa3: {  	[sflag:s31] =	ssyncset.done $0x0  }
0xa4: {  	[sflag:s31] =	ssyncadd.s32 $0xFFFFC000  }
0xa5: {  	_ =	swait.ge [sflag:s11], $0x4000  }
0xa6: {  	[sflag:s11] =	ssyncset.done $0x0  }
0xa7: {  	[sflag:s11] =	ssyncadd.s32 $0xFFFFC000  }
0xa8: {  	_ =	swait.ge [sflag:s28], $0x4000  }
0xa9: {  	[sflag:s28] =	ssyncset.done $0x0  }
0xaa: {  	[sflag:s28] =	ssyncadd.s32 $0xFFFFC000  }
0xab: {  	_ =	swait.ge [sflag:s13], $0x4000  }
0xac: {  	[sflag:s13] =	ssyncset.done $0x0  }
0xad: {  	p0 =	sne.s32 s4, $0x61000;
	[sflag:s13] =	ssyncadd.s32 $0xFFFFC000  }
.Ltmp0:
0xae: {  	_ =	swait.ge [sflag:s12], $0x4000;
	(pc) =	sbr.rel @p0 .LBB2_2-.Ltmp0, $4  }
0xaf: {  	[sflag:s12] =	ssyncset.done $0x0  }
0xb0: {  	[sflag:s12] =	ssyncadd.s32 $0xFFFFC000  }
0xb1: {  	s4 =	sadd.s32 $0x1000, s4;
	s6 =	sadd.s32 $0x100, s6;
	_ =	swait.ge [sflag:s7], $0x4000  }
0xb2: {  	s5 =	sadd.s32 $0x20, s5;
	s1 =	simm.s32 $0xC;
	[sflag:s7] =	ssyncset.done $0x0  }
0xb3: {  	s3 =	rddreg [dreg:$0x10]  }
0xb4: {  	s0 =	rddreg [dreg:$0xd];
	s3 =	sadd.s32 $0x1, s3  }
0xb5: {  	p0 =	sne.s32 s3, s0  }
.Ltmp1:
0xb6: {  	_ = 	snop;
	(pc) =	sbr.rel @p0 .LBB2_1-.Ltmp1, $4  }
0xb7: {  	[sflag:s1] =	ssyncadd.s32 $0xFFFFC000;
	s9 =	simm.s32 $0x200;
	s23 =	simm.s32 $0x4200  }
0xb8: {  	s6 =	simm.s32 $0x100;
	s25 =	simm.s32 $0x180;
	s31 =	simm.s32 $0xC200  }
0xb9: {  	s1 =	simm.s32 $0x10200;
	s8 =	simm.s32 $0x14200;
	s7 =	simm.s32 $0x1  }
0xba: {  	s26 =	simm.s32 $0x2;
	s28 =	simm.s32 $0x3;
	s12 =	simm.s32 $0x9  }
0xbb: {  	_ =	sfence.sel $0x180000  }
0xbc: {  	[bflag:$0x0] =	sbarrier.arrive $0xFFFF  }
0xbd: {  	_ =	strace $0x90000047  }
0xbe: {  	s0 =	stileid.u32;
	[bflag:$0x2] =	sbarrier.arrive $0xFFFF  }
0xbf: {  	p0 =	sne.s32 s0, $0x0;
	s0 =	rddreg [dreg:$0x8]  }
0xc0: {  	s0 =	sadd.s32 @!p0 $0x100000, s0  }
0xc1: {  	[sflag:s0] =	ssyncadd.tile.s32 @!p0 $0x1;
	_ =	shalt  }
.Lfunc_end2:
_tile_overlayer_lowered:
.L_overlay_start_2:
0xc2: {  	(tag) =	ssettag $0x2  }
0xc3: {  	s0 =	rddreg [dreg:$0x0];
	s2 =	stileid.u32  }
0xc4: {  	s1 =	rddreg [dreg:$0x1];
	p0 =	sne.s32 s2, $0x0  }
0xc5: {  	s3 =	rddreg [dreg:$0x2];
	[bflag:$0x3] =	sbarrier.arrive $0xFFFF;
	s2 =	simm.s32 @!p0 $0x1C0D  }
0xc6: {  	[timem:s3], [sflag:s2] =	dma.local @!p0 [hbm:s0], s1  }
0xc7: {  	s0 =	simm.s32 @!p0 $0xD  }
0xc8: {  	_ =	swait.ge @!p0 [sflag:s0], s1  }
0xc9: {  	s1 =	ssub.s32 @!p0 $0x0, s1;
	[sflag:s0] =	ssyncset.done @!p0 $0x0  }
0xca: {  	[sflag:s0] =	ssyncadd.s32 @!p0 s1  }
0xcb: {  	[bflag:$0x3] =	sbarrier.arrive $0xFFFF  }
0xcc: {  	_ =	shalt  }

</sc_bundles>
